<compile_context>
chip_gen: v7x
topology: tpu7x:2x2x1
jax: 0.10.2.dev20260603
libtpu: 0.0.44.dev20260713+nightly
codegen_flags: <defaults>
</compile_context>

<pallas_src>
import functools

import jax
import jax.numpy as jnp
from jax import lax
from jax.experimental import pallas as pl
from jax.experimental.pallas import tpu as pltpu
from jax.experimental.pallas import tpu_sc as plsc

BATCH = 16384
EMBED_DIM = 32

_NC = 2
_NS = 16
_NW = _NC * _NS
_BPW = BATCH // _NW
_CHUNK = 128
_NCHUNK = _BPW // _CHUNK


def _gather_body(uidx_hbm, iidx_hbm, utab, itab, out,
                 uidx_v, iidx_v, urows, irows, sem):
    c = lax.axis_index("c")
    s = lax.axis_index("s")
    wid = s * _NC + c
    base = wid * _BPW
    pltpu.sync_copy(uidx_hbm.at[wid], uidx_v)
    pltpu.sync_copy(iidx_hbm.at[wid], iidx_v)
    copies = []
    for j in range(_NCHUNK):
        copies.append(pltpu.async_copy(
            utab.at[uidx_v.at[j]], urows.at[pl.ds(j * _CHUNK, _CHUNK)], sem))
        copies.append(pltpu.async_copy(
            itab.at[iidx_v.at[j]], irows.at[pl.ds(j * _CHUNK, _CHUNK)], sem))
    for cp in copies:
        cp.wait()
    pltpu.sync_copy(urows, out.at[pl.ds(base, _BPW), pl.ds(0, EMBED_DIM)])
    pltpu.sync_copy(irows, out.at[pl.ds(base, _BPW),
                                  pl.ds(EMBED_DIM, EMBED_DIM)])


@jax.jit
def _sc_gather(uidx3, iidx3, utab, itab):
    mesh = plsc.VectorSubcoreMesh(core_axis_name="c", subcore_axis_name="s")
    f = functools.partial(
        pl.kernel,
        mesh=mesh,
        out_type=jax.ShapeDtypeStruct((BATCH, 128), jnp.bfloat16),
        scratch_types=[
            pltpu.VMEM((_NCHUNK, _CHUNK), jnp.int32),
            pltpu.VMEM((_NCHUNK, _CHUNK), jnp.int32),
            pltpu.VMEM((_BPW, EMBED_DIM), jnp.bfloat16),
            pltpu.VMEM((_BPW, EMBED_DIM), jnp.bfloat16),
            pltpu.SemaphoreType.DMA,
        ],
        compiler_params=pltpu.CompilerParams(use_tc_tiling_on_sc=False),
    )(_gather_body)
    return f(uidx3, iidx3, utab, itab)


_BB = 1024
_NB = BATCH // _BB


def _mlp_body(x_ref, w1u_ref, w1i_ref, b1_ref, w2_ref, b2_ref,
              w3_ref, b3_ref, out_ref):
    u = x_ref[:, pl.ds(0, EMBED_DIM)].astype(jnp.float32)
    i = x_ref[:, pl.ds(EMBED_DIM, EMBED_DIM)].astype(jnp.float32)
    h1 = jnp.dot(u, w1u_ref[...], preferred_element_type=jnp.float32)
    h1 = h1 + jnp.dot(i, w1i_ref[...],
                      preferred_element_type=jnp.float32)
    h1 = jnp.maximum(h1 + b1_ref[...], 0.0)
    h2 = jnp.dot(h1, w2_ref[...], preferred_element_type=jnp.float32)
    h2 = jnp.maximum(h2 + b2_ref[...], 0.0)
    o = jnp.sum(h2 * w3_ref[...], axis=1) + b3_ref[0, 0]
    out_ref[:, 0] = o


@jax.jit
def _tc_mlp(x, w1u, w1i, b1, w2, b2, w3, b3):
    out2d = pl.pallas_call(
        _mlp_body,
        grid=(_NB,),
        in_specs=[
            pl.BlockSpec((_BB, 128), lambda b: (b, 0)),
            pl.BlockSpec((EMBED_DIM, 64), lambda b: (0, 0)),
            pl.BlockSpec((EMBED_DIM, 64), lambda b: (0, 0)),
            pl.BlockSpec((1, 64), lambda b: (0, 0)),
            pl.BlockSpec((64, 32), lambda b: (0, 0)),
            pl.BlockSpec((1, 32), lambda b: (0, 0)),
            pl.BlockSpec((1, 32), lambda b: (0, 0)),
            pl.BlockSpec((1, 1), lambda b: (0, 0)),
        ],
        out_specs=pl.BlockSpec((_BB, 1), lambda b: (b, 0)),
        out_shape=jax.ShapeDtypeStruct((BATCH, 1), jnp.float32),
    )(x, w1u, w1i, b1, w2, b2, w3, b3)
    return out2d.reshape(BATCH)


def kernel(user, item, user_table, item_table, W1, b1, W2, b2, W3, b3):
    uidx3 = user.astype(jnp.int32).reshape(_NW, _NCHUNK, _CHUNK)
    iidx3 = item.astype(jnp.int32).reshape(_NW, _NCHUNK, _CHUNK)
    x_rows = _sc_gather(uidx3, iidx3,
                        user_table.astype(jnp.bfloat16),
                        item_table.astype(jnp.bfloat16))
    w1u = W1[:, :EMBED_DIM].T
    w1i = W1[:, EMBED_DIM:].T
    return _tc_mlp(x_rows, w1u, w1i, b1.reshape(1, 64),
                   W2.T, b2.reshape(1, 32), W3, b3.reshape(1, 1))

# --- scband reference (transcript-rebuilt; emitter-appended) ---
"""Pipeline reference for scband-ncf-5738076307984 (READ-ONLY COPY).

The authoritative reference and input builder live on the scoring server;
editing this copy changes nothing except your own understanding.
"""

import jax, jax.numpy as jnp
import numpy as np

NUM_USERS = 1000000
NUM_ITEMS = 1000000
EMBED_DIM = 32
BATCH = 16384


def setup_inputs(seed: int = 0) -> dict:
    key = jax.random.key(seed)
    ks = jax.random.split(key, 12)
    user = jax.random.randint(ks[0], (BATCH,), 0, NUM_USERS, dtype=jnp.int64) if jax.config.jax_enable_x64 else jax.random.randint(ks[0], (BATCH,), 0, NUM_USERS).astype(jnp.int32)
    item = jax.random.randint(ks[1], (BATCH,), 0, NUM_ITEMS).astype(user.dtype)
    user_table = jax.random.normal(ks[2], (NUM_USERS + 1, EMBED_DIM), dtype=jnp.float32)
    item_table = jax.random.normal(ks[3], (NUM_ITEMS + 1, EMBED_DIM), dtype=jnp.float32)
    # fc layers: Linear(64,64) -> ReLU -> Linear(64,32) -> ReLU -> Linear(32,1)
    W1 = jax.random.normal(ks[4], (64, EMBED_DIM * 2), dtype=jnp.float32) * (1.0 / np.sqrt(EMBED_DIM * 2))
    b1 = jax.random.normal(ks[5], (64,), dtype=jnp.float32) * 0.01
    W2 = jax.random.normal(ks[6], (32, 64), dtype=jnp.float32) * (1.0 / np.sqrt(64))
    b2 = jax.random.normal(ks[7], (32,), dtype=jnp.float32) * 0.01
    W3 = jax.random.normal(ks[8], (1, 32), dtype=jnp.float32) * (1.0 / np.sqrt(32))
    b3 = jax.random.normal(ks[9], (1,), dtype=jnp.float32) * 0.01
    return {"user": user, "item": item, "user_table": user_table, "item_table": item_table,
            "W1": W1, "b1": b1, "W2": W2, "b2": b2, "W3": W3, "b3": b3}


def reference(user, item, user_table, item_table, W1, b1, W2, b2, W3, b3):
    u = jnp.take(user_table, user, axis=0)
    i = jnp.take(item_table, item, axis=0)
    x = jnp.concatenate([u, i], axis=-1)
    h1 = jax.nn.relu(x @ W1.T + b1)
    h2 = jax.nn.relu(h1 @ W2.T + b2)
    out = h2 @ W3.T + b3
    return jnp.squeeze(out, axis=-1)

if __name__ == "__main__":
    import jax
    _d = setup_inputs()
    print(jax.jit(kernel)(*tuple(_d.values())))

</pallas_src>

<mosaic_0001>
#map = affine_map<(d0, d1) -> (0, 0, 0)>
#map1 = affine_map<(d0, d1) -> (0, 0)>
module attributes {stable_mosaic.version = 14 : i64} {
  func.func @_gather_body(%arg0: i32, %arg1: i32, %arg2: memref<32x4x128xi32, #tpu.memory_space<hbm>>, %arg3: memref<32x4x128xi32, #tpu.memory_space<hbm>>, %arg4: memref<1000001x32xbf16, #tpu.memory_space<hbm>>, %arg5: memref<1000001x32xbf16, #tpu.memory_space<hbm>>, %arg6: memref<16384x128xbf16, #tpu.memory_space<hbm>>, %arg7: memref<4x128xi32, #tpu.memory_space<vmem>>, %arg8: memref<4x128xi32, #tpu.memory_space<vmem>>, %arg9: memref<512x32xbf16, #tpu.memory_space<vmem>>, %arg10: memref<512x32xbf16, #tpu.memory_space<vmem>>, %arg11: memref<!tpu.dma_semaphore, #tpu.memory_space<semaphore_mem>>) attributes {dimension_semantics = [#tpu.dimension_semantics<core_parallel>, #tpu.dimension_semantics<subcore_parallel>], iteration_bounds = array<i64: 2, 16>, scalar_prefetch = 0 : i64, scratch_operands = 5 : i64, tpu.core_type = #tpu.core_type<sc_vector_subcore>, window_params = [{transform_indices = #map}, {transform_indices = #map}, {transform_indices = #map1}, {transform_indices = #map1}, {transform_indices = #map1}]} {
    %mul3A = arith.constant 2 : i32
    %mul3A_0 = arith.muli %arg1, %mul3A : i32
    %add3A = arith.addi %mul3A_0, %arg0 : i32
    %mul3A_1 = arith.constant 512 : i32
    %mul3A_2 = arith.muli %add3A, %mul3A_1 : i32
    "tpu.region"() ({
      %run_scoped3A = tpu.sem_alloc : memref<!tpu.dma_semaphore, #tpu.memory_space<semaphore_mem>>
      %dma_start3A_161 = arith.constant 0 : i32
      %dma_start3A_162 = arith.constant 0 : i32
      %dma_start3A_163 = tpu.memref_slice %arg2[%add3A, %dma_start3A_161, %dma_start3A_162] : memref<32x4x128xi32, #tpu.memory_space<hbm>> -> memref<1x4x128xi32, #tpu.memory_space<hbm>>
      %dma_start3A_164 = tpu.memref_squeeze %dma_start3A_163 : memref<1x4x128xi32, #tpu.memory_space<hbm>> -> memref<4x128xi32, #tpu.memory_space<hbm>>
      %dma_start3A_165 = arith.constant 0 : i32
      %dma_start3A_166 = arith.constant 0 : i32
      %dma_start3A_167 = tpu.memref_slice %arg2[%add3A, %dma_start3A_165, %dma_start3A_166] : memref<32x4x128xi32, #tpu.memory_space<hbm>> -> memref<1x4x128xi32, #tpu.memory_space<hbm>>
      %dma_start3A_168 = tpu.memref_squeeze %dma_start3A_167 : memref<1x4x128xi32, #tpu.memory_space<hbm>> -> memref<4x128xi32, #tpu.memory_space<hbm>>
      tpu.enqueue_dma source(%dma_start3A_168 : memref<4x128xi32, #tpu.memory_space<hbm>>) target(%arg7 : memref<4x128xi32, #tpu.memory_space<vmem>>) target_semaphore(%run_scoped3A : memref<!tpu.dma_semaphore, #tpu.memory_space<semaphore_mem>>)
      %dma_wait3A_169 = arith.constant 0 : i32
      %dma_wait3A_170 = arith.constant 0 : i32
      %dma_wait3A_171 = tpu.memref_slice %arg2[%add3A, %dma_wait3A_169, %dma_wait3A_170] : memref<32x4x128xi32, #tpu.memory_space<hbm>> -> memref<1x4x128xi32, #tpu.memory_space<hbm>>
      %dma_wait3A_172 = tpu.memref_squeeze %dma_wait3A_171 : memref<1x4x128xi32, #tpu.memory_space<hbm>> -> memref<4x128xi32, #tpu.memory_space<hbm>>
      %dma_wait3A_173 = arith.constant 0 : i32
      %dma_wait3A_174 = arith.constant 0 : i32
      %dma_wait3A_175 = tpu.memref_slice %arg2[%add3A, %dma_wait3A_173, %dma_wait3A_174] : memref<32x4x128xi32, #tpu.memory_space<hbm>> -> memref<1x4x128xi32, #tpu.memory_space<hbm>>
      %dma_wait3A_176 = tpu.memref_squeeze %dma_wait3A_175 : memref<1x4x128xi32, #tpu.memory_space<hbm>> -> memref<4x128xi32, #tpu.memory_space<hbm>>
      tpu.wait_dma2 semaphore(%run_scoped3A : memref<!tpu.dma_semaphore, #tpu.memory_space<semaphore_mem>>) src(%dma_wait3A_176 : memref<4x128xi32, #tpu.memory_space<hbm>>) dst(%arg7 : memref<4x128xi32, #tpu.memory_space<vmem>>)
      tpu.yield
    }) : () -> ()
    "tpu.region"() ({
      %run_scoped3A = tpu.sem_alloc : memref<!tpu.dma_semaphore, #tpu.memory_space<semaphore_mem>>
      %dma_start3A_161 = arith.constant 0 : i32
      %dma_start3A_162 = arith.constant 0 : i32
      %dma_start3A_163 = tpu.memref_slice %arg3[%add3A, %dma_start3A_161, %dma_start3A_162] : memref<32x4x128xi32, #tpu.memory_space<hbm>> -> memref<1x4x128xi32, #tpu.memory_space<hbm>>
      %dma_start3A_164 = tpu.memref_squeeze %dma_start3A_163 : memref<1x4x128xi32, #tpu.memory_space<hbm>> -> memref<4x128xi32, #tpu.memory_space<hbm>>
      %dma_start3A_165 = arith.constant 0 : i32
      %dma_start3A_166 = arith.constant 0 : i32
      %dma_start3A_167 = tpu.memref_slice %arg3[%add3A, %dma_start3A_165, %dma_start3A_166] : memref<32x4x128xi32, #tpu.memory_space<hbm>> -> memref<1x4x128xi32, #tpu.memory_space<hbm>>
      %dma_start3A_168 = tpu.memref_squeeze %dma_start3A_167 : memref<1x4x128xi32, #tpu.memory_space<hbm>> -> memref<4x128xi32, #tpu.memory_space<hbm>>
      tpu.enqueue_dma source(%dma_start3A_168 : memref<4x128xi32, #tpu.memory_space<hbm>>) target(%arg8 : memref<4x128xi32, #tpu.memory_space<vmem>>) target_semaphore(%run_scoped3A : memref<!tpu.dma_semaphore, #tpu.memory_space<semaphore_mem>>)
      %dma_wait3A_169 = arith.constant 0 : i32
      %dma_wait3A_170 = arith.constant 0 : i32
      %dma_wait3A_171 = tpu.memref_slice %arg3[%add3A, %dma_wait3A_169, %dma_wait3A_170] : memref<32x4x128xi32, #tpu.memory_space<hbm>> -> memref<1x4x128xi32, #tpu.memory_space<hbm>>
      %dma_wait3A_172 = tpu.memref_squeeze %dma_wait3A_171 : memref<1x4x128xi32, #tpu.memory_space<hbm>> -> memref<4x128xi32, #tpu.memory_space<hbm>>
      %dma_wait3A_173 = arith.constant 0 : i32
      %dma_wait3A_174 = arith.constant 0 : i32
      %dma_wait3A_175 = tpu.memref_slice %arg3[%add3A, %dma_wait3A_173, %dma_wait3A_174] : memref<32x4x128xi32, #tpu.memory_space<hbm>> -> memref<1x4x128xi32, #tpu.memory_space<hbm>>
      %dma_wait3A_176 = tpu.memref_squeeze %dma_wait3A_175 : memref<1x4x128xi32, #tpu.memory_space<hbm>> -> memref<4x128xi32, #tpu.memory_space<hbm>>
      tpu.wait_dma2 semaphore(%run_scoped3A : memref<!tpu.dma_semaphore, #tpu.memory_space<semaphore_mem>>) src(%dma_wait3A_176 : memref<4x128xi32, #tpu.memory_space<hbm>>) dst(%arg8 : memref<4x128xi32, #tpu.memory_space<vmem>>)
      tpu.yield
    }) : () -> ()
    %dma_start3A = arith.constant 0 : i32
    %dma_start3A_3 = arith.constant 0 : i32
    %dma_start3A_4 = arith.constant 0 : i32
    %dma_start3A_5 = tpu.memref_slice %arg9[%dma_start3A_3, %dma_start3A_4] : memref<512x32xbf16, #tpu.memory_space<vmem>> -> memref<128x32xbf16, #tpu.memory_space<vmem>>
    %dma_start3A_6 = arith.constant 0 : i32
    %dma_start3A_7 = tpu.memref_slice %arg7[%dma_start3A, %dma_start3A_6] : memref<4x128xi32, #tpu.memory_space<vmem>> -> memref<1x128xi32, #tpu.memory_space<vmem>>
    %dma_start3A_8 = tpu.memref_squeeze %dma_start3A_7 : memref<1x128xi32, #tpu.memory_space<vmem>> -> memref<128xi32, #tpu.memory_space<vmem>>
    %dma_start3A_9 = arith.constant 0 : i32
    %dma_start3A_10 = arith.constant 0 : i32
    %dma_start3A_11 = tpu.memref_slice %arg4[%dma_start3A_9, %dma_start3A_10] : memref<1000001x32xbf16, #tpu.memory_space<hbm>> -> memref<1000001x32xbf16, #tpu.memory_space<hbm>>
    tpu.enqueue_indirect_dma source(%dma_start3A_11 : memref<1000001x32xbf16, #tpu.memory_space<hbm>>) target(%dma_start3A_5 : memref<128x32xbf16, #tpu.memory_space<vmem>>) offsets(%dma_start3A_8 : memref<128xi32, #tpu.memory_space<vmem>>) semaphore(%arg11 : memref<!tpu.dma_semaphore, #tpu.memory_space<semaphore_mem>>)
    %dma_start3A_12 = arith.constant 0 : i32
    %dma_start3A_13 = arith.constant 0 : i32
    %dma_start3A_14 = arith.constant 0 : i32
    %dma_start3A_15 = tpu.memref_slice %arg10[%dma_start3A_13, %dma_start3A_14] : memref<512x32xbf16, #tpu.memory_space<vmem>> -> memref<128x32xbf16, #tpu.memory_space<vmem>>
    %dma_start3A_16 = arith.constant 0 : i32
    %dma_start3A_17 = tpu.memref_slice %arg8[%dma_start3A_12, %dma_start3A_16] : memref<4x128xi32, #tpu.memory_space<vmem>> -> memref<1x128xi32, #tpu.memory_space<vmem>>
    %dma_start3A_18 = tpu.memref_squeeze %dma_start3A_17 : memref<1x128xi32, #tpu.memory_space<vmem>> -> memref<128xi32, #tpu.memory_space<vmem>>
    %dma_start3A_19 = arith.constant 0 : i32
    %dma_start3A_20 = arith.constant 0 : i32
    %dma_start3A_21 = tpu.memref_slice %arg5[%dma_start3A_19, %dma_start3A_20] : memref<1000001x32xbf16, #tpu.memory_space<hbm>> -> memref<1000001x32xbf16, #tpu.memory_space<hbm>>
    tpu.enqueue_indirect_dma source(%dma_start3A_21 : memref<1000001x32xbf16, #tpu.memory_space<hbm>>) target(%dma_start3A_15 : memref<128x32xbf16, #tpu.memory_space<vmem>>) offsets(%dma_start3A_18 : memref<128xi32, #tpu.memory_space<vmem>>) semaphore(%arg11 : memref<!tpu.dma_semaphore, #tpu.memory_space<semaphore_mem>>)
    %dma_start3A_22 = arith.constant 1 : i32
    %dma_start3A_23 = arith.constant 128 : i32
    %dma_start3A_24 = arith.constant 0 : i32
    %dma_start3A_25 = tpu.memref_slice %arg9[%dma_start3A_23, %dma_start3A_24] : memref<512x32xbf16, #tpu.memory_space<vmem>> -> memref<128x32xbf16, #tpu.memory_space<vmem>>
    %dma_start3A_26 = arith.constant 0 : i32
    %dma_start3A_27 = tpu.memref_slice %arg7[%dma_start3A_22, %dma_start3A_26] : memref<4x128xi32, #tpu.memory_space<vmem>> -> memref<1x128xi32, #tpu.memory_space<vmem>>
    %dma_start3A_28 = tpu.memref_squeeze %dma_start3A_27 : memref<1x128xi32, #tpu.memory_space<vmem>> -> memref<128xi32, #tpu.memory_space<vmem>>
    %dma_start3A_29 = arith.constant 0 : i32
    %dma_start3A_30 = arith.constant 0 : i32
    %dma_start3A_31 = tpu.memref_slice %arg4[%dma_start3A_29, %dma_start3A_30] : memref<1000001x32xbf16, #tpu.memory_space<hbm>> -> memref<1000001x32xbf16, #tpu.memory_space<hbm>>
    tpu.enqueue_indirect_dma source(%dma_start3A_31 : memref<1000001x32xbf16, #tpu.memory_space<hbm>>) target(%dma_start3A_25 : memref<128x32xbf16, #tpu.memory_space<vmem>>) offsets(%dma_start3A_28 : memref<128xi32, #tpu.memory_space<vmem>>) semaphore(%arg11 : memref<!tpu.dma_semaphore, #tpu.memory_space<semaphore_mem>>)
    %dma_start3A_32 = arith.constant 1 : i32
    %dma_start3A_33 = arith.constant 128 : i32
    %dma_start3A_34 = arith.constant 0 : i32
    %dma_start3A_35 = tpu.memref_slice %arg10[%dma_start3A_33, %dma_start3A_34] : memref<512x32xbf16, #tpu.memory_space<vmem>> -> memref<128x32xbf16, #tpu.memory_space<vmem>>
    %dma_start3A_36 = arith.constant 0 : i32
    %dma_start3A_37 = tpu.memref_slice %arg8[%dma_start3A_32, %dma_start3A_36] : memref<4x128xi32, #tpu.memory_space<vmem>> -> memref<1x128xi32, #tpu.memory_space<vmem>>
    %dma_start3A_38 = tpu.memref_squeeze %dma_start3A_37 : memref<1x128xi32, #tpu.memory_space<vmem>> -> memref<128xi32, #tpu.memory_space<vmem>>
    %dma_start3A_39 = arith.constant 0 : i32
    %dma_start3A_40 = arith.constant 0 : i32
    %dma_start3A_41 = tpu.memref_slice %arg5[%dma_start3A_39, %dma_start3A_40] : memref<1000001x32xbf16, #tpu.memory_space<hbm>> -> memref<1000001x32xbf16, #tpu.memory_space<hbm>>
    tpu.enqueue_indirect_dma source(%dma_start3A_41 : memref<1000001x32xbf16, #tpu.memory_space<hbm>>) target(%dma_start3A_35 : memref<128x32xbf16, #tpu.memory_space<vmem>>) offsets(%dma_start3A_38 : memref<128xi32, #tpu.memory_space<vmem>>) semaphore(%arg11 : memref<!tpu.dma_semaphore, #tpu.memory_space<semaphore_mem>>)
    %dma_start3A_42 = arith.constant 2 : i32
    %dma_start3A_43 = arith.constant 256 : i32
    %dma_start3A_44 = arith.constant 0 : i32
    %dma_start3A_45 = tpu.memref_slice %arg9[%dma_start3A_43, %dma_start3A_44] : memref<512x32xbf16, #tpu.memory_space<vmem>> -> memref<128x32xbf16, #tpu.memory_space<vmem>>
    %dma_start3A_46 = arith.constant 0 : i32
    %dma_start3A_47 = tpu.memref_slice %arg7[%dma_start3A_42, %dma_start3A_46] : memref<4x128xi32, #tpu.memory_space<vmem>> -> memref<1x128xi32, #tpu.memory_space<vmem>>
    %dma_start3A_48 = tpu.memref_squeeze %dma_start3A_47 : memref<1x128xi32, #tpu.memory_space<vmem>> -> memref<128xi32, #tpu.memory_space<vmem>>
    %dma_start3A_49 = arith.constant 0 : i32
    %dma_start3A_50 = arith.constant 0 : i32
    %dma_start3A_51 = tpu.memref_slice %arg4[%dma_start3A_49, %dma_start3A_50] : memref<1000001x32xbf16, #tpu.memory_space<hbm>> -> memref<1000001x32xbf16, #tpu.memory_space<hbm>>
    tpu.enqueue_indirect_dma source(%dma_start3A_51 : memref<1000001x32xbf16, #tpu.memory_space<hbm>>) target(%dma_start3A_45 : memref<128x32xbf16, #tpu.memory_space<vmem>>) offsets(%dma_start3A_48 : memref<128xi32, #tpu.memory_space<vmem>>) semaphore(%arg11 : memref<!tpu.dma_semaphore, #tpu.memory_space<semaphore_mem>>)
    %dma_start3A_52 = arith.constant 2 : i32
    %dma_start3A_53 = arith.constant 256 : i32
    %dma_start3A_54 = arith.constant 0 : i32
    %dma_start3A_55 = tpu.memref_slice %arg10[%dma_start3A_53, %dma_start3A_54] : memref<512x32xbf16, #tpu.memory_space<vmem>> -> memref<128x32xbf16, #tpu.memory_space<vmem>>
    %dma_start3A_56 = arith.constant 0 : i32
    %dma_start3A_57 = tpu.memref_slice %arg8[%dma_start3A_52, %dma_start3A_56] : memref<4x128xi32, #tpu.memory_space<vmem>> -> memref<1x128xi32, #tpu.memory_space<vmem>>
    %dma_start3A_58 = tpu.memref_squeeze %dma_start3A_57 : memref<1x128xi32, #tpu.memory_space<vmem>> -> memref<128xi32, #tpu.memory_space<vmem>>
    %dma_start3A_59 = arith.constant 0 : i32
    %dma_start3A_60 = arith.constant 0 : i32
    %dma_start3A_61 = tpu.memref_slice %arg5[%dma_start3A_59, %dma_start3A_60] : memref<1000001x32xbf16, #tpu.memory_space<hbm>> -> memref<1000001x32xbf16, #tpu.memory_space<hbm>>
    tpu.enqueue_indirect_dma source(%dma_start3A_61 : memref<1000001x32xbf16, #tpu.memory_space<hbm>>) target(%dma_start3A_55 : memref<128x32xbf16, #tpu.memory_space<vmem>>) offsets(%dma_start3A_58 : memref<128xi32, #tpu.memory_space<vmem>>) semaphore(%arg11 : memref<!tpu.dma_semaphore, #tpu.memory_space<semaphore_mem>>)
    %dma_start3A_62 = arith.constant 3 : i32
    %dma_start3A_63 = arith.constant 384 : i32
    %dma_start3A_64 = arith.constant 0 : i32
    %dma_start3A_65 = tpu.memref_slice %arg9[%dma_start3A_63, %dma_start3A_64] : memref<512x32xbf16, #tpu.memory_space<vmem>> -> memref<128x32xbf16, #tpu.memory_space<vmem>>
    %dma_start3A_66 = arith.constant 0 : i32
    %dma_start3A_67 = tpu.memref_slice %arg7[%dma_start3A_62, %dma_start3A_66] : memref<4x128xi32, #tpu.memory_space<vmem>> -> memref<1x128xi32, #tpu.memory_space<vmem>>
    %dma_start3A_68 = tpu.memref_squeeze %dma_start3A_67 : memref<1x128xi32, #tpu.memory_space<vmem>> -> memref<128xi32, #tpu.memory_space<vmem>>
    %dma_start3A_69 = arith.constant 0 : i32
    %dma_start3A_70 = arith.constant 0 : i32
    %dma_start3A_71 = tpu.memref_slice %arg4[%dma_start3A_69, %dma_start3A_70] : memref<1000001x32xbf16, #tpu.memory_space<hbm>> -> memref<1000001x32xbf16, #tpu.memory_space<hbm>>
    tpu.enqueue_indirect_dma source(%dma_start3A_71 : memref<1000001x32xbf16, #tpu.memory_space<hbm>>) target(%dma_start3A_65 : memref<128x32xbf16, #tpu.memory_space<vmem>>) offsets(%dma_start3A_68 : memref<128xi32, #tpu.memory_space<vmem>>) semaphore(%arg11 : memref<!tpu.dma_semaphore, #tpu.memory_space<semaphore_mem>>)
    %dma_start3A_72 = arith.constant 3 : i32
    %dma_start3A_73 = arith.constant 384 : i32
    %dma_start3A_74 = arith.constant 0 : i32
    %dma_start3A_75 = tpu.memref_slice %arg10[%dma_start3A_73, %dma_start3A_74] : memref<512x32xbf16, #tpu.memory_space<vmem>> -> memref<128x32xbf16, #tpu.memory_space<vmem>>
    %dma_start3A_76 = arith.constant 0 : i32
    %dma_start3A_77 = tpu.memref_slice %arg8[%dma_start3A_72, %dma_start3A_76] : memref<4x128xi32, #tpu.memory_space<vmem>> -> memref<1x128xi32, #tpu.memory_space<vmem>>
    %dma_start3A_78 = tpu.memref_squeeze %dma_start3A_77 : memref<1x128xi32, #tpu.memory_space<vmem>> -> memref<128xi32, #tpu.memory_space<vmem>>
    %dma_start3A_79 = arith.constant 0 : i32
    %dma_start3A_80 = arith.constant 0 : i32
    %dma_start3A_81 = tpu.memref_slice %arg5[%dma_start3A_79, %dma_start3A_80] : memref<1000001x32xbf16, #tpu.memory_space<hbm>> -> memref<1000001x32xbf16, #tpu.memory_space<hbm>>
    tpu.enqueue_indirect_dma source(%dma_start3A_81 : memref<1000001x32xbf16, #tpu.memory_space<hbm>>) target(%dma_start3A_75 : memref<128x32xbf16, #tpu.memory_space<vmem>>) offsets(%dma_start3A_78 : memref<128xi32, #tpu.memory_space<vmem>>) semaphore(%arg11 : memref<!tpu.dma_semaphore, #tpu.memory_space<semaphore_mem>>)
    %dma_wait3A = arith.constant 0 : i32
    %dma_wait3A_82 = arith.constant 0 : i32
    %dma_wait3A_83 = arith.constant 0 : i32
    %dma_wait3A_84 = tpu.memref_slice %arg9[%dma_wait3A_82, %dma_wait3A_83] : memref<512x32xbf16, #tpu.memory_space<vmem>> -> memref<128x32xbf16, #tpu.memory_space<vmem>>
    %dma_wait3A_85 = arith.constant 0 : i32
    %dma_wait3A_86 = tpu.memref_slice %arg7[%dma_wait3A, %dma_wait3A_85] : memref<4x128xi32, #tpu.memory_space<vmem>> -> memref<1x128xi32, #tpu.memory_space<vmem>>
    %dma_wait3A_87 = tpu.memref_squeeze %dma_wait3A_86 : memref<1x128xi32, #tpu.memory_space<vmem>> -> memref<128xi32, #tpu.memory_space<vmem>>
    %dma_wait3A_88 = arith.constant 0 : i32
    %dma_wait3A_89 = arith.constant 0 : i32
    %dma_wait3A_90 = tpu.memref_slice %arg4[%dma_wait3A_88, %dma_wait3A_89] : memref<1000001x32xbf16, #tpu.memory_space<hbm>> -> memref<1000001x32xbf16, #tpu.memory_space<hbm>>
    tpu.wait_indirect_dma semaphore(%arg11 : memref<!tpu.dma_semaphore, #tpu.memory_space<semaphore_mem>>) src(%dma_wait3A_90 : memref<1000001x32xbf16, #tpu.memory_space<hbm>>) dst(%dma_wait3A_84 : memref<128x32xbf16, #tpu.memory_space<vmem>>)
    %dma_wait3A_91 = arith.constant 0 : i32
    %dma_wait3A_92 = arith.constant 0 : i32
    %dma_wait3A_93 = arith.constant 0 : i32
    %dma_wait3A_94 = tpu.memref_slice %arg10[%dma_wait3A_92, %dma_wait3A_93] : memref<512x32xbf16, #tpu.memory_space<vmem>> -> memref<128x32xbf16, #tpu.memory_space<vmem>>
    %dma_wait3A_95 = arith.constant 0 : i32
    %dma_wait3A_96 = tpu.memref_slice %arg8[%dma_wait3A_91, %dma_wait3A_95] : memref<4x128xi32, #tpu.memory_space<vmem>> -> memref<1x128xi32, #tpu.memory_space<vmem>>
    %dma_wait3A_97 = tpu.memref_squeeze %dma_wait3A_96 : memref<1x128xi32, #tpu.memory_space<vmem>> -> memref<128xi32, #tpu.memory_space<vmem>>
    %dma_wait3A_98 = arith.constant 0 : i32
    %dma_wait3A_99 = arith.constant 0 : i32
    %dma_wait3A_100 = tpu.memref_slice %arg5[%dma_wait3A_98, %dma_wait3A_99] : memref<1000001x32xbf16, #tpu.memory_space<hbm>> -> memref<1000001x32xbf16, #tpu.memory_space<hbm>>
    tpu.wait_indirect_dma semaphore(%arg11 : memref<!tpu.dma_semaphore, #tpu.memory_space<semaphore_mem>>) src(%dma_wait3A_100 : memref<1000001x32xbf16, #tpu.memory_space<hbm>>) dst(%dma_wait3A_94 : memref<128x32xbf16, #tpu.memory_space<vmem>>)
    %dma_wait3A_101 = arith.constant 1 : i32
    %dma_wait3A_102 = arith.constant 128 : i32
    %dma_wait3A_103 = arith.constant 0 : i32
    %dma_wait3A_104 = tpu.memref_slice %arg9[%dma_wait3A_102, %dma_wait3A_103] : memref<512x32xbf16, #tpu.memory_space<vmem>> -> memref<128x32xbf16, #tpu.memory_space<vmem>>
    %dma_wait3A_105 = arith.constant 0 : i32
    %dma_wait3A_106 = tpu.memref_slice %arg7[%dma_wait3A_101, %dma_wait3A_105] : memref<4x128xi32, #tpu.memory_space<vmem>> -> memref<1x128xi32, #tpu.memory_space<vmem>>
    %dma_wait3A_107 = tpu.memref_squeeze %dma_wait3A_106 : memref<1x128xi32, #tpu.memory_space<vmem>> -> memref<128xi32, #tpu.memory_space<vmem>>
    %dma_wait3A_108 = arith.constant 0 : i32
    %dma_wait3A_109 = arith.constant 0 : i32
    %dma_wait3A_110 = tpu.memref_slice %arg4[%dma_wait3A_108, %dma_wait3A_109] : memref<1000001x32xbf16, #tpu.memory_space<hbm>> -> memref<1000001x32xbf16, #tpu.memory_space<hbm>>
    tpu.wait_indirect_dma semaphore(%arg11 : memref<!tpu.dma_semaphore, #tpu.memory_space<semaphore_mem>>) src(%dma_wait3A_110 : memref<1000001x32xbf16, #tpu.memory_space<hbm>>) dst(%dma_wait3A_104 : memref<128x32xbf16, #tpu.memory_space<vmem>>)
    %dma_wait3A_111 = arith.constant 1 : i32
    %dma_wait3A_112 = arith.constant 128 : i32
    %dma_wait3A_113 = arith.constant 0 : i32
    %dma_wait3A_114 = tpu.memref_slice %arg10[%dma_wait3A_112, %dma_wait3A_113] : memref<512x32xbf16, #tpu.memory_space<vmem>> -> memref<128x32xbf16, #tpu.memory_space<vmem>>
    %dma_wait3A_115 = arith.constant 0 : i32
    %dma_wait3A_116 = tpu.memref_slice %arg8[%dma_wait3A_111, %dma_wait3A_115] : memref<4x128xi32, #tpu.memory_space<vmem>> -> memref<1x128xi32, #tpu.memory_space<vmem>>
    %dma_wait3A_117 = tpu.memref_squeeze %dma_wait3A_116 : memref<1x128xi32, #tpu.memory_space<vmem>> -> memref<128xi32, #tpu.memory_space<vmem>>
    %dma_wait3A_118 = arith.constant 0 : i32
    %dma_wait3A_119 = arith.constant 0 : i32
    %dma_wait3A_120 = tpu.memref_slice %arg5[%dma_wait3A_118, %dma_wait3A_119] : memref<1000001x32xbf16, #tpu.memory_space<hbm>> -> memref<1000001x32xbf16, #tpu.memory_space<hbm>>
    tpu.wait_indirect_dma semaphore(%arg11 : memref<!tpu.dma_semaphore, #tpu.memory_space<semaphore_mem>>) src(%dma_wait3A_120 : memref<1000001x32xbf16, #tpu.memory_space<hbm>>) dst(%dma_wait3A_114 : memref<128x32xbf16, #tpu.memory_space<vmem>>)
    %dma_wait3A_121 = arith.constant 2 : i32
    %dma_wait3A_122 = arith.constant 256 : i32
    %dma_wait3A_123 = arith.constant 0 : i32
    %dma_wait3A_124 = tpu.memref_slice %arg9[%dma_wait3A_122, %dma_wait3A_123] : memref<512x32xbf16, #tpu.memory_space<vmem>> -> memref<128x32xbf16, #tpu.memory_space<vmem>>
    %dma_wait3A_125 = arith.constant 0 : i32
    %dma_wait3A_126 = tpu.memref_slice %arg7[%dma_wait3A_121, %dma_wait3A_125] : memref<4x128xi32, #tpu.memory_space<vmem>> -> memref<1x128xi32, #tpu.memory_space<vmem>>
    %dma_wait3A_127 = tpu.memref_squeeze %dma_wait3A_126 : memref<1x128xi32, #tpu.memory_space<vmem>> -> memref<128xi32, #tpu.memory_space<vmem>>
    %dma_wait3A_128 = arith.constant 0 : i32
    %dma_wait3A_129 = arith.constant 0 : i32
    %dma_wait3A_130 = tpu.memref_slice %arg4[%dma_wait3A_128, %dma_wait3A_129] : memref<1000001x32xbf16, #tpu.memory_space<hbm>> -> memref<1000001x32xbf16, #tpu.memory_space<hbm>>
    tpu.wait_indirect_dma semaphore(%arg11 : memref<!tpu.dma_semaphore, #tpu.memory_space<semaphore_mem>>) src(%dma_wait3A_130 : memref<1000001x32xbf16, #tpu.memory_space<hbm>>) dst(%dma_wait3A_124 : memref<128x32xbf16, #tpu.memory_space<vmem>>)
    %dma_wait3A_131 = arith.constant 2 : i32
    %dma_wait3A_132 = arith.constant 256 : i32
    %dma_wait3A_133 = arith.constant 0 : i32
    %dma_wait3A_134 = tpu.memref_slice %arg10[%dma_wait3A_132, %dma_wait3A_133] : memref<512x32xbf16, #tpu.memory_space<vmem>> -> memref<128x32xbf16, #tpu.memory_space<vmem>>
    %dma_wait3A_135 = arith.constant 0 : i32
    %dma_wait3A_136 = tpu.memref_slice %arg8[%dma_wait3A_131, %dma_wait3A_135] : memref<4x128xi32, #tpu.memory_space<vmem>> -> memref<1x128xi32, #tpu.memory_space<vmem>>
    %dma_wait3A_137 = tpu.memref_squeeze %dma_wait3A_136 : memref<1x128xi32, #tpu.memory_space<vmem>> -> memref<128xi32, #tpu.memory_space<vmem>>
    %dma_wait3A_138 = arith.constant 0 : i32
    %dma_wait3A_139 = arith.constant 0 : i32
    %dma_wait3A_140 = tpu.memref_slice %arg5[%dma_wait3A_138, %dma_wait3A_139] : memref<1000001x32xbf16, #tpu.memory_space<hbm>> -> memref<1000001x32xbf16, #tpu.memory_space<hbm>>
    tpu.wait_indirect_dma semaphore(%arg11 : memref<!tpu.dma_semaphore, #tpu.memory_space<semaphore_mem>>) src(%dma_wait3A_140 : memref<1000001x32xbf16, #tpu.memory_space<hbm>>) dst(%dma_wait3A_134 : memref<128x32xbf16, #tpu.memory_space<vmem>>)
    %dma_wait3A_141 = arith.constant 3 : i32
    %dma_wait3A_142 = arith.constant 384 : i32
    %dma_wait3A_143 = arith.constant 0 : i32
    %dma_wait3A_144 = tpu.memref_slice %arg9[%dma_wait3A_142, %dma_wait3A_143] : memref<512x32xbf16, #tpu.memory_space<vmem>> -> memref<128x32xbf16, #tpu.memory_space<vmem>>
    %dma_wait3A_145 = arith.constant 0 : i32
    %dma_wait3A_146 = tpu.memref_slice %arg7[%dma_wait3A_141, %dma_wait3A_145] : memref<4x128xi32, #tpu.memory_space<vmem>> -> memref<1x128xi32, #tpu.memory_space<vmem>>
    %dma_wait3A_147 = tpu.memref_squeeze %dma_wait3A_146 : memref<1x128xi32, #tpu.memory_space<vmem>> -> memref<128xi32, #tpu.memory_space<vmem>>
    %dma_wait3A_148 = arith.constant 0 : i32
    %dma_wait3A_149 = arith.constant 0 : i32
    %dma_wait3A_150 = tpu.memref_slice %arg4[%dma_wait3A_148, %dma_wait3A_149] : memref<1000001x32xbf16, #tpu.memory_space<hbm>> -> memref<1000001x32xbf16, #tpu.memory_space<hbm>>
    tpu.wait_indirect_dma semaphore(%arg11 : memref<!tpu.dma_semaphore, #tpu.memory_space<semaphore_mem>>) src(%dma_wait3A_150 : memref<1000001x32xbf16, #tpu.memory_space<hbm>>) dst(%dma_wait3A_144 : memref<128x32xbf16, #tpu.memory_space<vmem>>)
    %dma_wait3A_151 = arith.constant 3 : i32
    %dma_wait3A_152 = arith.constant 384 : i32
    %dma_wait3A_153 = arith.constant 0 : i32
    %dma_wait3A_154 = tpu.memref_slice %arg10[%dma_wait3A_152, %dma_wait3A_153] : memref<512x32xbf16, #tpu.memory_space<vmem>> -> memref<128x32xbf16, #tpu.memory_space<vmem>>
    %dma_wait3A_155 = arith.constant 0 : i32
    %dma_wait3A_156 = tpu.memref_slice %arg8[%dma_wait3A_151, %dma_wait3A_155] : memref<4x128xi32, #tpu.memory_space<vmem>> -> memref<1x128xi32, #tpu.memory_space<vmem>>
    %dma_wait3A_157 = tpu.memref_squeeze %dma_wait3A_156 : memref<1x128xi32, #tpu.memory_space<vmem>> -> memref<128xi32, #tpu.memory_space<vmem>>
    %dma_wait3A_158 = arith.constant 0 : i32
    %dma_wait3A_159 = arith.constant 0 : i32
    %dma_wait3A_160 = tpu.memref_slice %arg5[%dma_wait3A_158, %dma_wait3A_159] : memref<1000001x32xbf16, #tpu.memory_space<hbm>> -> memref<1000001x32xbf16, #tpu.memory_space<hbm>>
    tpu.wait_indirect_dma semaphore(%arg11 : memref<!tpu.dma_semaphore, #tpu.memory_space<semaphore_mem>>) src(%dma_wait3A_160 : memref<1000001x32xbf16, #tpu.memory_space<hbm>>) dst(%dma_wait3A_154 : memref<128x32xbf16, #tpu.memory_space<vmem>>)
    "tpu.region"() ({
      %run_scoped3A = tpu.sem_alloc : memref<!tpu.dma_semaphore, #tpu.memory_space<semaphore_mem>>
      %dma_start3A_161 = arith.constant 0 : i32
      %dma_start3A_162 = tpu.memref_slice %arg6[%mul3A_2, %dma_start3A_161] : memref<16384x128xbf16, #tpu.memory_space<hbm>> -> memref<512x32xbf16, #tpu.memory_space<hbm>>
      %dma_start3A_163 = arith.constant 0 : i32
      %dma_start3A_164 = tpu.memref_slice %arg6[%mul3A_2, %dma_start3A_163] : memref<16384x128xbf16, #tpu.memory_space<hbm>> -> memref<512x32xbf16, #tpu.memory_space<hbm>>
      tpu.enqueue_dma source(%arg9 : memref<512x32xbf16, #tpu.memory_space<vmem>>) target(%dma_start3A_164 : memref<512x32xbf16, #tpu.memory_space<hbm>>) target_semaphore(%run_scoped3A : memref<!tpu.dma_semaphore, #tpu.memory_space<semaphore_mem>>)
      %dma_wait3A_165 = arith.constant 0 : i32
      %dma_wait3A_166 = tpu.memref_slice %arg6[%mul3A_2, %dma_wait3A_165] : memref<16384x128xbf16, #tpu.memory_space<hbm>> -> memref<512x32xbf16, #tpu.memory_space<hbm>>
      %dma_wait3A_167 = arith.constant 0 : i32
      %dma_wait3A_168 = tpu.memref_slice %arg6[%mul3A_2, %dma_wait3A_167] : memref<16384x128xbf16, #tpu.memory_space<hbm>> -> memref<512x32xbf16, #tpu.memory_space<hbm>>
      tpu.wait_dma2 semaphore(%run_scoped3A : memref<!tpu.dma_semaphore, #tpu.memory_space<semaphore_mem>>) src(%arg9 : memref<512x32xbf16, #tpu.memory_space<vmem>>) dst(%dma_wait3A_168 : memref<512x32xbf16, #tpu.memory_space<hbm>>)
      tpu.yield
    }) : () -> ()
    "tpu.region"() ({
      %run_scoped3A = tpu.sem_alloc : memref<!tpu.dma_semaphore, #tpu.memory_space<semaphore_mem>>
      %dma_start3A_161 = arith.constant 32 : i32
      %dma_start3A_162 = tpu.memref_slice %arg6[%mul3A_2, %dma_start3A_161] : memref<16384x128xbf16, #tpu.memory_space<hbm>> -> memref<512x32xbf16, #tpu.memory_space<hbm>>
      %dma_start3A_163 = arith.constant 32 : i32
      %dma_start3A_164 = tpu.memref_slice %arg6[%mul3A_2, %dma_start3A_163] : memref<16384x128xbf16, #tpu.memory_space<hbm>> -> memref<512x32xbf16, #tpu.memory_space<hbm>>
      tpu.enqueue_dma source(%arg10 : memref<512x32xbf16, #tpu.memory_space<vmem>>) target(%dma_start3A_164 : memref<512x32xbf16, #tpu.memory_space<hbm>>) target_semaphore(%run_scoped3A : memref<!tpu.dma_semaphore, #tpu.memory_space<semaphore_mem>>)
      %dma_wait3A_165 = arith.constant 32 : i32
      %dma_wait3A_166 = tpu.memref_slice %arg6[%mul3A_2, %dma_wait3A_165] : memref<16384x128xbf16, #tpu.memory_space<hbm>> -> memref<512x32xbf16, #tpu.memory_space<hbm>>
      %dma_wait3A_167 = arith.constant 32 : i32
      %dma_wait3A_168 = tpu.memref_slice %arg6[%mul3A_2, %dma_wait3A_167] : memref<16384x128xbf16, #tpu.memory_space<hbm>> -> memref<512x32xbf16, #tpu.memory_space<hbm>>
      tpu.wait_dma2 semaphore(%run_scoped3A : memref<!tpu.dma_semaphore, #tpu.memory_space<semaphore_mem>>) src(%arg10 : memref<512x32xbf16, #tpu.memory_space<vmem>>) dst(%dma_wait3A_168 : memref<512x32xbf16, #tpu.memory_space<hbm>>)
      tpu.yield
    }) : () -> ()
    return
  }
}

</mosaic_0001>

<sc_bundles>
// kernel: _sc_gather.3.cloned.1.call-start
scs
__scs_entry_jumppad:
0x0: {  	(pc) =	sbr.rel $0x88, $3  }
0x1: {  	(tag) =	ssettag $0x0;
	lr =	simm.s32 $0x1  }
0x2: {  	[smem:$0x3F9D] =	sst lr;
	_ =	strace $0xD0000000  }
0x3: {  	_ = 	snop  }
0x4: {  	_ = 	snop  }
0x5: {  	_ = 	snop  }
0x6: {  	_ = 	snop  }
0x7: {  	_ = 	snop  }
__scs_overlays_trampoline_lowered:
0x8: {  	[smem:$0x3FAC] =	sst s0  }
0x9: {  	[smem:$0x3FAD] =	sst s1  }
0xa: {  	[smem:$0x3FAE] =	sst s2  }
0xb: {  	[smem:$0x3FAF] =	sst s3  }
0xc: {  	[smem:$0x3FB0] =	sst s4  }
0xd: {  	[smem:$0x3FB1] =	sst s5  }
0xe: {  	[smem:$0x3FB2] =	sst s6  }
0xf: {  	[smem:$0x3FB3] =	sst s7  }
0x10: {  	[smem:$0x3FB4] =	sst s8  }
0x11: {  	[smem:$0x3FB5] =	sst s9;
	s0 =	simm.s32 @!p0 $0x0  }
0x12: {  	s1 =	sld [smem:$0x3F9B];
	s0 =	simm.s32 @p0 $0x1  }
0x13: {  	[smem:$0x3FB6] =	sst s0;
	s0 =	simm.s32 @!p1 $0x0  }
0x14: {  	s2 =	sld [smem:$0x3F9A];
	s0 =	simm.s32 @p1 $0x1  }
0x15: {  	[smem:$0x3FB7] =	sst s0;
	s0 =	simm.s32 @!p2 $0x0  }
0x16: {  	s3 =	sld [smem:$0x3FDB];
	s0 =	simm.s32 @p2 $0x1  }
0x17: {  	s4 =	simm.s32 $0x1BF5;
	[smem:$0x3FB9] =	sst s0  }
0x18: {  	s0 =	sld [smem:$0x3F9C];
	_ =	swait.ge [sflag:s4], $0x0  }
0x19: {  	s7 =	sld [smem:$0x3F9D]  }
0x1a: {  	s8 =	sadd.s32 $0xFFFFE003, lr  }
0x1b: {  	s9 =	sadd.s32 $0xFFFFFEF7, lr;
	s5 =	simm.s32 $0xFFFFFFFF;
	p2 =	slt.u32 s8, $0xFFFFF086  }
0x1c: {  	p1 =	slt.u32 s9, $0xF7A;
	s5 =	simm.s32 @!p2 $0x0  }
0x1d: {  	s5 =	simm.s32 @p1 $0x1;
	p0 =	seq.s32 s7, s2  }
0x1e: {  	s7 =	smul.u32 @!p0 $0xF7A, s2;
	p2 =	seq.s32 @!p0 s5, $0x0  }
0x1f: {  	s9 =	smul.u32 $0xF7A, s1;
	s8 =	simm.s32 @!p0 $0x1BF5;
	p2 =	por !p2, p0  }
0x20: {  	[sflag:s8] =	ssyncset.s32 @!p0 $0xFFFFF086;
	s6 =	sadd.s32 @!p0 s3, s7;
	s7 =	simm.s32 @!p0 $0x108  }
0x21: {  	s3 =	sadd.s32 s3, s9;
	s6 =	sadd.s32 @!p0 $0x88, s6;
	s7 =	simm.s32 @p2 $0x1082  }
0x22: {  	[simem:s7], [sflag:s8] =	dma.local @!p0 [hbm:s6], $0xF7A  }
0x23: {  	s9 =	sor.u32 $0xD0000000, s2;
	s6 =	simm.s32 $0x108;
	_ =	swait.ge @!p0 [sflag:s8], $0x0  }
0x24: {  	s3 =	sadd.s32 $0x88, s3;
	s6 =	simm.s32 @!p1 $0x1082;
	[sflag:s4] =	ssyncset.s32 $0xFFFFF086  }
0x25: {  	[simem:s6], [sflag:s4] =	dma.local [hbm:s3], $0xF7A  }
0x26: {  	[smem:$0x3F9D] =	sst s1;
	(tag) =	ssettag s2;
	_ =	strace s9  }
0x27: {  	s1 =	sld [smem:$0x3FAD]  }
0x28: {  	s2 =	sld [smem:$0x3FAE]  }
0x29: {  	s4 =	sld [smem:$0x3FB0]  }
0x2a: {  	p0 =	seq.s32 s5, $0x0;
	s5 =	sld [smem:$0x3FB1]  }
0x2b: {  	s6 =	sld [smem:$0x3FB2]  }
0x2c: {  	s7 =	sld [smem:$0x3FB3]  }
0x2d: {  	s3 =	simm.s32 $0x108;
	s8 =	sld [smem:$0x3FB4]  }
0x2e: {  	s3 =	simm.s32 @!p0 $0x1082;
	s9 =	sld [smem:$0x3FB5]  }
0x2f: {  	lr =	sadd.s32 s0, s3;
	s0 =	sld [smem:$0x3FAC]  }
0x30: {  	s3 =	sld [smem:$0x3FAF]  }
0x31: {  	[smem:$0x3FB8] =	sst s10  }
0x32: {  	s10 =	sld [smem:$0x3FB6];
	_ =	sdelay $0x3  }
0x33: {  	p0 =	seq.s32 s10, $0x1;
	s10 =	sld [smem:$0x3FB8];
	_ =	sdelay $0x3  }
0x34: {  	[smem:$0x3FB8] =	sst s10  }
0x35: {  	s10 =	sld [smem:$0x3FB7];
	_ =	sdelay $0x3  }
0x36: {  	p1 =	seq.s32 s10, $0x1;
	s10 =	sld [smem:$0x3FB8];
	_ =	sdelay $0x3  }
0x37: {  	[smem:$0x3FB8] =	sst s10  }
0x38: {  	s10 =	sld [smem:$0x3FB9]  }
0x39: {  	_ = 	snop;
	(pc) =	sbr.ind lr, $3  }
0x3a: {  	_ = 	snop  }
0x3b: {  	_ = 	snop  }
0x3c: {  	p2 =	seq.s32 s10, $0x1;
	s10 =	sld [smem:$0x3FB8]  }
0x3d: {  	_ =	shalt  }
0x3e: {  	_ =	shalt  }
0x3f: {  	_ =	shalt  }
0x40: {  	_ =	shalt  }
0x41: {  	_ =	shalt  }
0x42: {  	_ =	shalt  }
0x43: {  	_ =	shalt  }
0x44: {  	_ =	shalt  }
0x45: {  	_ =	shalt  }
0x46: {  	_ =	shalt  }
0x47: {  	_ =	shalt  }
0x48: {  	_ =	shalt  }
0x49: {  	_ =	shalt  }
0x4a: {  	_ =	shalt  }
0x4b: {  	_ =	shalt  }
0x4c: {  	_ =	shalt  }
0x4d: {  	_ =	shalt  }
0x4e: {  	_ =	shalt  }
0x4f: {  	_ =	shalt  }
0x50: {  	_ =	shalt  }
0x51: {  	_ =	shalt  }
0x52: {  	_ =	shalt  }
0x53: {  	_ =	shalt  }
0x54: {  	_ =	shalt  }
0x55: {  	_ =	shalt  }
0x56: {  	_ =	shalt  }
0x57: {  	_ =	shalt  }
0x58: {  	_ =	shalt  }
0x59: {  	_ =	shalt  }
0x5a: {  	_ =	shalt  }
0x5b: {  	_ =	shalt  }
0x5c: {  	_ =	shalt  }
0x5d: {  	_ =	shalt  }
0x5e: {  	_ =	shalt  }
0x5f: {  	_ =	shalt  }
0x60: {  	_ =	shalt  }
0x61: {  	_ =	shalt  }
0x62: {  	_ =	shalt  }
0x63: {  	_ =	shalt  }
0x64: {  	_ =	shalt  }
0x65: {  	_ =	shalt  }
0x66: {  	_ =	shalt  }
0x67: {  	_ =	shalt  }
0x68: {  	_ =	shalt  }
0x69: {  	_ =	shalt  }
0x6a: {  	_ =	shalt  }
0x6b: {  	_ =	shalt  }
0x6c: {  	_ =	shalt  }
0x6d: {  	_ =	shalt  }
0x6e: {  	_ =	shalt  }
0x6f: {  	_ =	shalt  }
0x70: {  	_ =	shalt  }
0x71: {  	_ =	shalt  }
0x72: {  	_ =	shalt  }
0x73: {  	_ =	shalt  }
0x74: {  	_ =	shalt  }
0x75: {  	_ =	shalt  }
0x76: {  	_ =	shalt  }
0x77: {  	_ =	shalt  }
0x78: {  	_ =	shalt  }
0x79: {  	_ =	shalt  }
0x7a: {  	_ =	shalt  }
0x7b: {  	_ =	shalt  }
0x7c: {  	_ =	shalt  }
0x7d: {  	_ =	shalt  }
0x7e: {  	_ =	shalt  }
0x7f: {  	_ =	shalt  }
0x80: {  	_ =	shalt  }
0x81: {  	_ =	shalt  }
0x82: {  	_ =	shalt  }
0x83: {  	_ =	shalt  }
0x84: {  	_ =	shalt  }
0x85: {  	_ =	shalt  }
0x86: {  	_ =	shalt  }
0x87: {  	_ =	shalt  }
.Lfunc_end0:
.L_simem_size_0:
called_computation_lowered:
.L_overlay_start_0:
0x88: {  	s2 =	sld [smem:$0x3FD9]  }
0x89: {  	s3 =	sld [smem:$0x3FFE];
	_ =	sdelay $0x1  }
0x8a: {  	s1 =	srdreg.scid  }
0x8b: {  	s0 =	sand.u32 $0x1, s1  }
0x8c: {  	s17 =	sshll.u32 s0, $0xA;
	s2 =	sadd.s32 s3, s2  }
0x8d: {  	s2 =	sadd.s32 s2, s17  }
0x8e: {  	[smem:$0x3FC4] =	sst s2  }
0x8f: {  	_ = 	snop  }
0x90: {  	s2 =	sld [smem:$0x3FC9]  }
0x91: {  	s18 =	sld [smem:$0x3FC8]  }
0x92: {  	s4 =	sld [smem:$0x3FD0];
	(tm) =	ssettm $0x1  }
0x93: {  	s5 =	sld [smem:$0x3FFB];
	_ =	sdelay $0x3  }
0x94: {  	_ =	strace s5  }
0x95: {  	s5 =	sld [smem:$0x3FFC];
	_ =	sdelay $0x3  }
0x96: {  	_ =	strace s5  }
0x97: {  	s5 =	sld [smem:$0x3FFD];
	_ =	sdelay $0x3  }
0x98: {  	_ =	strace s5  }
0x99: {  	_ =	strace $0x8FFFFFFF  }
0x9a: {  	s19 =	sld [smem:$0x3FDB];
	_ =	sdelay $0x1  }
0x9b: {  	s6 =	simm.s32 $_scs_section_size  }
0x9c: {  	s7 =	simm.s32 $_size__tile_overlayer_lowered;
	s8 =	simm.s32 $_tile_overlayer_lowered  }
0x9d: {  	s22 =	simm.s32 $0x1BFF;
	s21 =	sshll.u32 s8, $0x1;
	s5 =	sadd.s32 s6, s19  }
0x9e: {  	s9 =	simm.s32 $0x0;
	s20 =	sshll.u32 s7, $0x1;
	s7 =	sadd.s32 s21, s5  }
0x9f: {  	[timem:s9], [sflag:s22] =	dma.local [hbm:s7], s20  }
0xa0: {  	_ =	swait.ge [sflag:s22], s20  }
0xa1: {  	s6 =	ssub.s32 $0x0, s20;
	[sflag:s22] =	ssyncset.done $0x0  }
0xa2: {  	[sflag:s22] =	ssyncadd.s32 s6;
	_ =	sdelay $0x1  }
0xa3: {  	s23 =	simm.s32 $0x1B8B  }
0xa4: {  	_ =	swait.ge [sflag:s23], $0x1  }
0xa5: {  	[sflag:s23] =	ssyncset.done $0x0  }
0xa6: {  	s25 =	simm.s32 $0x1B8E;
	s24 =	sld [smem:$0x3FFE];
	[sflag:s23] =	ssyncadd.s32 $0xFFFFFFFF  }
0xa7: {  	s26 =	simm.s32 $execute0_lowered;
	[smem:$0x3FD2] =	sst s25  }
0xa8: {  	s7 =	sshll.u32 s26, $0x1;
	_ =	strace $0x80000046;
	[dreg:$0x1] =	wrdreg $0xFFFFFFFF  }
0xa9: {  	s28 =	simm.s32 $_size_execute0_lowered;
	s5 =	sadd.s32 s5, s7;
	[dreg:$0x0] =	wrdreg $0x0  }
0xaa: {  	s7 =	sshll.u32 s28, $0x1;
	[dreg:$0x2] =	wrdreg s5  }
0xab: {  	[dreg:$0x3] =	wrdreg s7  }
0xac: {  	[dreg:$0x4] =	wrdreg $0xC0  }
0xad: {  	_ =	task [dreg:s9], $0x5FFFF  }
0xae: {  	[dreg:$0x1] =	wrdreg $0xFFFFFFFF  }
0xaf: {  	[dreg:$0x0] =	wrdreg $0x60  }
0xb0: {  	[dreg:$0x2] =	wrdreg s2  }
0xb1: {  	[dreg:$0x3] =	wrdreg s18  }
0xb2: {  	[dreg:$0x4] =	wrdreg s24  }
0xb3: {  	[dreg:$0x5] =	wrdreg s4  }
0xb4: {  	[dreg:$0x6] =	wrdreg $0x9  }
0xb5: {  	_ =	task.clear_ibuf [dreg:s9], $0x7FFFF;
	_ =	strace $0x90000046  }
0xb6: {  	s29 =	simm.s32 $0x9;
	_ =	strace $0x80000048  }
0xb7: {  	_ =	swait.ge [sflag:s29], $0x1  }
0xb8: {  	[sflag:s29] =	ssyncadd.s32 $0xFFFFFFFF  }
0xb9: {  	_ =	strace $0x90000048  }
0xba: {  	_ =	sfence  }
0xbb: {  	s30 =	sld [smem:$0x0];
	_ =	sdelay $0x2  }
0xbc: {  	s31 =	sshll.u32 s1, $0xD;
	s1 =	sshrl.u32 s1, $0x2  }
0xbd: {  	s3 =	sand.u32 $0x4000, s31;
	s1 =	sadd.s32 s1, s30  }
0xbe: {  	s0 =	sor.u32 s3, s0;
	s1 =	sshll.u32 s1, $0x11  }
0xbf: {  	s0 =	sor.u32 s1, s0  }
0xc0: {  	s0 =	sadd.s32 $0x8F2B, s0  }
0xc1: {  	[sflag:s0] =	ssyncadd.remote.s32 $0x1  }
0xc2: {  	_ =	sfence.sel $0xFFFF  }
0xc3: {  	[dreg:$0x0] =	wrdreg $0xFFFFFFFF;
	(pc) =	sbr.abs _section_cstart, $3  }
0xc4: {  	[dreg:$0x1] =	wrdreg $0xFFFFFFFF  }
0xc5: {  	_ =	task.clear_ibuf [dreg:s9], $0x2FFFF;
	_ =	strace $0x9FFFFFFF  }
0xc6: {  	(tm) =	ssettm $0x7FFFFFFF  }
0xc7: {  	_ =	shalt  }
tec
execute0_lowered:
.L_overlay_start_1:
0x0: {  	(tag) =	ssettag $0x1  }
0x1: {  	s3 =	rddreg [dreg:$0x0]  }
0x2: {  	s5 =	rddreg [dreg:$0x1];
	s1 =	srdreg.scid  }
0x3: {  	s10 =	rddreg [dreg:$0x2];
	s0 =	stileid.u32;
	s25 =	sand.u32 $0x1, s1  }
0x4: {  	s24 =	rddreg [dreg:$0x3];
	s4 =	sshll.u32 s0, $0xA;
	s6 =	sshll.u32 s25, $0x9  }
0x5: {  	s2 =	simm.s32 $0x0;
	s1 =	rddreg [dreg:$0x4];
	s26 =	sor.u32 s6, s4  }
0x6: {  	[smem:$0x7FF] =	sst s2;
	s6 =	sshrl.u32 s26, $0x3  }
0x7: {  	_ =	strace $0x80000047;
	s4 =	sadd.s32 s3, s6;
	s3 =	simm.s32 $0x2  }
0x8: {  	[tilespmem:s2], [sflag:$0x2] =	stream.linear.gather [hbm4b:s4+s2], $0x200, $0x38;
	[tilespmem:$0x4400] =	vst v63  }
0x9: {  	_ =	swait.ge [sflag:s3], $0x200  }
0xa: {  	[sflag:s3] =	ssyncset.done $0x0  }
0xb: {  	s5 =	sadd.s32 s5, s6;
	s6 =	simm.s32 $0x200;
	[sflag:s3] =	ssyncadd.s32 $0xFFFFFE00  }
0xc: {  	[tilespmem:s6], [sflag:$0x2] =	stream.linear.gather [hbm4b:s5+s2], $0x200, $0x38;
	[tilespmem:$0x4400] =	vst v63  }
0xd: {  	_ =	swait.ge [sflag:s3], $0x200  }
0xe: {  	s8 =	simm.s32 $0x80;
	[sflag:s3] =	ssyncset.done $0x0  }
0xf: {  	s9 =	simm.s32 $0x400;
	s7 =	sadd.s32 $0x400, s10;
	[sflag:s3] =	ssyncadd.s32 $0xFFFFFE00  }
0x10: {  	[tilespmem:s9], [sflag:$0x1] =	stream.indirect.gather [hbm4b:s7+s8], $0x10, s2, s8, $0xb8;
	[tilespmem:$0x4400] =	vst v63  }
0x11: {  	s11 =	simm.s32 $0x2400;
	s10 =	sadd.s32 $0x1E8A00, s10  }
0x12: {  	[tilespmem:s11], [sflag:$0x1] =	stream.indirect.gather [hbm4b:s10+s8], $0x10, s6, s8, $0xb8;
	[tilespmem:$0x4400] =	vst v63  }
0x13: {  	s12 =	simm.s32 $0xC00  }
0x14: {  	[tilespmem:s12], [sflag:$0x1] =	stream.indirect.gather [hbm4b:s7+s8], $0x10, s8, s8, $0xb8;
	[tilespmem:$0x4400] =	vst v63  }
0x15: {  	s13 =	simm.s32 $0x280;
	s14 =	simm.s32 $0x2C00  }
0x16: {  	[tilespmem:s14], [sflag:$0x1] =	stream.indirect.gather [hbm4b:s10+s8], $0x10, s13, s8, $0xb8;
	[tilespmem:$0x4400] =	vst v63  }
0x17: {  	s15 =	simm.s32 $0x100;
	s16 =	simm.s32 $0x1400  }
0x18: {  	[tilespmem:s16], [sflag:$0x1] =	stream.indirect.gather [hbm4b:s7+s8], $0x10, s15, s8, $0xb8;
	[tilespmem:$0x4400] =	vst v63  }
0x19: {  	s17 =	simm.s32 $0x300;
	s18 =	simm.s32 $0x3400  }
0x1a: {  	[tilespmem:s18], [sflag:$0x1] =	stream.indirect.gather [hbm4b:s10+s8], $0x10, s17, s8, $0xb8;
	[tilespmem:$0x4400] =	vst v63  }
0x1b: {  	s19 =	simm.s32 $0x180;
	s20 =	simm.s32 $0x1C00  }
0x1c: {  	[tilespmem:s20], [sflag:$0x1] =	stream.indirect.gather [hbm4b:s7+s8], $0x10, s19, s8, $0xb8;
	[tilespmem:$0x4400] =	vst v63  }
0x1d: {  	s21 =	simm.s32 $0x380;
	s22 =	simm.s32 $0x3C00;
	s23 =	simm.s32 $0x1  }
0x1e: {  	[tilespmem:s22], [sflag:$0x1] =	stream.indirect.gather [hbm4b:s10+s8], $0x10, s21, s8, $0xb8;
	[tilespmem:$0x4400] =	vst v63  }
0x1f: {  	_ =	swait.ge [sflag:s23], $0x800  }
0x20: {  	[sflag:s23] =	ssyncset.done $0x0  }
0x21: {  	[sflag:s23] =	ssyncadd.s32 $0xFFFFF800  }
0x22: {  	_ =	swait.ge [sflag:s23], $0x800  }
0x23: {  	[sflag:s23] =	ssyncset.done $0x0  }
0x24: {  	[sflag:s23] =	ssyncadd.s32 $0xFFFFF800  }
0x25: {  	_ =	swait.ge [sflag:s23], $0x800  }
0x26: {  	[sflag:s23] =	ssyncset.done $0x0  }
0x27: {  	[sflag:s23] =	ssyncadd.s32 $0xFFFFF800  }
0x28: {  	_ =	swait.ge [sflag:s23], $0x800  }
0x29: {  	[sflag:s23] =	ssyncset.done $0x0  }
0x2a: {  	[sflag:s23] =	ssyncadd.s32 $0xFFFFF800  }
0x2b: {  	_ =	swait.ge [sflag:s23], $0x800  }
0x2c: {  	[sflag:s23] =	ssyncset.done $0x0  }
0x2d: {  	[sflag:s23] =	ssyncadd.s32 $0xFFFFF800  }
0x2e: {  	_ =	swait.ge [sflag:s23], $0x800  }
0x2f: {  	[sflag:s23] =	ssyncset.done $0x0  }
0x30: {  	[sflag:s23] =	ssyncadd.s32 $0xFFFFF800  }
0x31: {  	_ =	swait.ge [sflag:s23], $0x800  }
0x32: {  	[sflag:s23] =	ssyncset.done $0x0  }
0x33: {  	s28 =	ssub.s32 $0x2, s25;
	s25 =	simm.s32 $0x10;
	[sflag:s23] =	ssyncadd.s32 $0xFFFFF800  }
0x34: {  	s29 =	sshrl.u32 s28, $0x1;
	s26 =	sshll.u32 s26, $0x3;
	_ =	swait.ge [sflag:s23], $0x800  }
0x35: {  	s28 =	ssub.s32 s28, s29;
	s24 =	sadd.s32 s24, s26;
	[sflag:s23] =	ssyncset.done $0x0  }
0x36: {  	s26 =	simm.s32 $0x40;
	s29 =	smax.u32 s28, $0x1;
	[sflag:s23] =	ssyncadd.s32 $0xFFFFF800  }
0x37: {  	[hbm4b:s24+s25] =	stream.strided.scatter [tilespmem:s9], [sflag:$0x2], $0x2000, s26, s25, $0x38;
	[tilespmem:$0x4400] =	vst v63  }
0x38: {  	p0 =	sne.s32 s29, $0x1;
	_ =	swait.ge [sflag:s3], $0x2000  }
.Ltmp0:
0x39: {  	[sflag:s3] =	ssyncset.done $0x0;
	(pc) =	sbr.rel @!p0 .LBB2_2-.Ltmp0, $4  }
0x3a: {  	s28 =	sadd.s32 $0x2, s24;
	[sflag:s3] =	ssyncadd.s32 $0xFFFFE000  }
0x3b: {  	[hbm4b:s28+s25] =	stream.strided.scatter [tilespmem:s11], [sflag:$0x2], $0x2000, s26, s25, $0x38;
	[tilespmem:$0x4400] =	vst v63  }
0x3c: {  	_ =	swait.ge [sflag:s3], $0x2000  }
0x3d: {  	s29 =	sadd.s32 $0xFFFFFFFF, s29;
	[sflag:s3] =	ssyncset.done $0x0  }
.LBB2_1:
0x3e: {  	p0 =	sne.s32 s29, $0x1;
	s29 =	sadd.s32 $0xFFFFFFFF, s29;
	[sflag:s3] =	ssyncadd.s32 $0xFFFFE000  }
0x3f: {  	[tilespmem:s2], [sflag:$0x2] =	stream.linear.gather [hbm4b:s4+s2], $0x200, $0x38;
	[tilespmem:$0x4400] =	vst v63  }
0x40: {  	_ =	swait.ge [sflag:s3], $0x200  }
0x41: {  	[sflag:s3] =	ssyncset.done $0x0  }
0x42: {  	[sflag:s3] =	ssyncadd.s32 $0xFFFFFE00  }
0x43: {  	[tilespmem:s6], [sflag:$0x2] =	stream.linear.gather [hbm4b:s5+s2], $0x200, $0x38;
	[tilespmem:$0x4400] =	vst v63  }
0x44: {  	_ =	swait.ge [sflag:s3], $0x200  }
0x45: {  	[sflag:s3] =	ssyncset.done $0x0  }
0x46: {  	[sflag:s3] =	ssyncadd.s32 $0xFFFFFE00  }
0x47: {  	[tilespmem:s9], [sflag:$0x1] =	stream.indirect.gather [hbm4b:s7+s8], $0x10, s2, s8, $0xb8;
	[tilespmem:$0x4400] =	vst v63  }
0x48: {  	_ = 	snop  }
0x49: {  	[tilespmem:s11], [sflag:$0x1] =	stream.indirect.gather [hbm4b:s10+s8], $0x10, s6, s8, $0xb8;
	[tilespmem:$0x4400] =	vst v63  }
0x4a: {  	_ = 	snop  }
0x4b: {  	[tilespmem:s12], [sflag:$0x1] =	stream.indirect.gather [hbm4b:s7+s8], $0x10, s8, s8, $0xb8;
	[tilespmem:$0x4400] =	vst v63  }
0x4c: {  	_ = 	snop  }
0x4d: {  	[tilespmem:s14], [sflag:$0x1] =	stream.indirect.gather [hbm4b:s10+s8], $0x10, s13, s8, $0xb8;
	[tilespmem:$0x4400] =	vst v63  }
0x4e: {  	_ = 	snop  }
0x4f: {  	[tilespmem:s16], [sflag:$0x1] =	stream.indirect.gather [hbm4b:s7+s8], $0x10, s15, s8, $0xb8;
	[tilespmem:$0x4400] =	vst v63  }
0x50: {  	_ = 	snop  }
0x51: {  	[tilespmem:s18], [sflag:$0x1] =	stream.indirect.gather [hbm4b:s10+s8], $0x10, s17, s8, $0xb8;
	[tilespmem:$0x4400] =	vst v63  }
0x52: {  	_ = 	snop  }
0x53: {  	[tilespmem:s20], [sflag:$0x1] =	stream.indirect.gather [hbm4b:s7+s8], $0x10, s19, s8, $0xb8;
	[tilespmem:$0x4400] =	vst v63  }
0x54: {  	_ = 	snop  }
0x55: {  	[tilespmem:s22], [sflag:$0x1] =	stream.indirect.gather [hbm4b:s10+s8], $0x10, s21, s8, $0xb8;
	[tilespmem:$0x4400] =	vst v63  }
0x56: {  	_ =	swait.ge [sflag:s23], $0x800  }
0x57: {  	[sflag:s23] =	ssyncset.done $0x0  }
0x58: {  	[sflag:s23] =	ssyncadd.s32 $0xFFFFF800  }
0x59: {  	_ =	swait.ge [sflag:s23], $0x800  }
0x5a: {  	[sflag:s23] =	ssyncset.done $0x0  }
0x5b: {  	[sflag:s23] =	ssyncadd.s32 $0xFFFFF800  }
0x5c: {  	_ =	swait.ge [sflag:s23], $0x800  }
0x5d: {  	[sflag:s23] =	ssyncset.done $0x0  }
0x5e: {  	[sflag:s23] =	ssyncadd.s32 $0xFFFFF800  }
0x5f: {  	_ =	swait.ge [sflag:s23], $0x800  }
0x60: {  	[sflag:s23] =	ssyncset.done $0x0  }
0x61: {  	[sflag:s23] =	ssyncadd.s32 $0xFFFFF800  }
0x62: {  	_ =	swait.ge [sflag:s23], $0x800  }
0x63: {  	[sflag:s23] =	ssyncset.done $0x0  }
0x64: {  	[sflag:s23] =	ssyncadd.s32 $0xFFFFF800  }
0x65: {  	_ =	swait.ge [sflag:s23], $0x800  }
0x66: {  	[sflag:s23] =	ssyncset.done $0x0  }
0x67: {  	[sflag:s23] =	ssyncadd.s32 $0xFFFFF800  }
0x68: {  	_ =	swait.ge [sflag:s23], $0x800  }
0x69: {  	[sflag:s23] =	ssyncset.done $0x0  }
0x6a: {  	[sflag:s23] =	ssyncadd.s32 $0xFFFFF800  }
0x6b: {  	_ =	swait.ge [sflag:s23], $0x800  }
0x6c: {  	[sflag:s23] =	ssyncset.done $0x0  }
0x6d: {  	[sflag:s23] =	ssyncadd.s32 $0xFFFFF800  }
0x6e: {  	[hbm4b:s24+s25] =	stream.strided.scatter [tilespmem:s9], [sflag:$0x2], $0x2000, s26, s25, $0x38;
	[tilespmem:$0x4400] =	vst v63  }
0x6f: {  	_ =	swait.ge [sflag:s3], $0x2000  }
.Ltmp1:
0x70: {  	[sflag:s3] =	ssyncset.done $0x0;
	(pc) =	sbr.rel @p0 .LBB2_1-.Ltmp1, $4  }
0x71: {  	[sflag:s3] =	ssyncadd.s32 $0xFFFFE000  }
0x72: {  	[hbm4b:s28+s25] =	stream.strided.scatter [tilespmem:s11], [sflag:$0x2], $0x2000, s26, s25, $0x38;
	[tilespmem:$0x4400] =	vst v63  }
0x73: {  	_ =	swait.ge [sflag:s3], $0x2000  }
0x74: {  	[sflag:s3] =	ssyncset.done $0x0  }
.LBB2_2:
0x75: {  	[sflag:s3] =	ssyncadd.s32 $0xFFFFE000  }
0x76: {  	_ =	sfence.sel $0x180000  }
0x77: {  	[bflag:$0x0] =	sbarrier.arrive $0xFFFF  }
0x78: {  	p0 =	sne.s32 s0, $0x0;
	_ =	strace $0x90000047  }
0x79: {  	s0 =	sadd.s32 @!p0 $0x100000, s1;
	[bflag:$0x2] =	sbarrier.arrive $0xFFFF  }
0x7a: {  	[sflag:s0] =	ssyncadd.tile.s32 @!p0 $0x1;
	_ =	shalt  }
.Lfunc_end2:
_tile_overlayer_lowered:
.L_overlay_start_2:
0x7b: {  	(tag) =	ssettag $0x2  }
0x7c: {  	s0 =	rddreg [dreg:$0x0];
	s2 =	stileid.u32  }
0x7d: {  	s1 =	rddreg [dreg:$0x1];
	p0 =	sne.s32 s2, $0x0  }
0x7e: {  	s3 =	rddreg [dreg:$0x2];
	[bflag:$0x3] =	sbarrier.arrive $0xFFFF;
	s2 =	simm.s32 @!p0 $0x1C02  }
0x7f: {  	[timem:s3], [sflag:s2] =	dma.local @!p0 [hbm:s0], s1  }
0x80: {  	s0 =	simm.s32 @!p0 $0x2  }
0x81: {  	_ =	swait.ge @!p0 [sflag:s0], s1  }
0x82: {  	s1 =	ssub.s32 @!p0 $0x0, s1;
	[sflag:s0] =	ssyncset.done @!p0 $0x0  }
0x83: {  	[sflag:s0] =	ssyncadd.s32 @!p0 s1  }
0x84: {  	[bflag:$0x3] =	sbarrier.arrive $0xFFFF  }
0x85: {  	_ =	shalt  }

</sc_bundles>
